<compile_context>
chip_gen: v7x
topology: tpu7x:2x2x1
jax: 0.10.2.dev20260603
libtpu: 0.0.44.dev20260713+nightly
codegen_flags: <defaults>
</compile_context>

<pallas_src>
import functools

import jax
import jax.numpy as jnp
from jax import lax
from jax.experimental import pallas as pl
from jax.experimental.pallas import tpu as pltpu
from jax.experimental.pallas import tpu_sc as plsc

_NE, _NCH = 8192, 32
_N = _NE * _NCH
_SC_N = 65536
_TC_N = _N - _SC_N
_NW = 32
_CHUNK = _SC_N // _NW
_L = 16

_DEAD_LINES = ((0.008, 0.0), (0.032, -0.006), (0.36, -0.17), (1.2, -0.8))
_TAU_LINES = ((0.04, 0.02), (0.08, 0.01), (0.12, -0.01), (0.16, -0.04))
_INV_DT = 200.00000447034847


def _maxlines(x, lines):
    (s0, b0), (s1, b1), (s2, b2), (s3, b3) = lines
    return jnp.maximum(
        jnp.maximum(x * s0 + b0, x * s1 + b1),
        jnp.maximum(x * s2 + b2, x * s3 + b3),
    )


def _elem(t):
    xc = jnp.minimum(jnp.maximum(t, 0.0), 1.0)
    dead = _maxlines(xc, _DEAD_LINES)
    tau = _maxlines(xc, _TAU_LINES)
    delay = dead * _INV_DT
    read = 102.0 - delay
    w = jnp.minimum(jnp.maximum(read - 101.0, 0.0), 1.0)
    w = jnp.where(read >= 102.0, 0.0, w)
    w = jnp.where(delay == 0.0, 1.0, w)
    af = 0.005 / (tau + 0.005)
    return af * (w * t)


def _sc_body(x_hbm, out_hbm, xin, xout):
    wid = lax.axis_index("s") * 2 + lax.axis_index("c")
    base = wid * _CHUNK
    pltpu.sync_copy(x_hbm.at[pl.ds(base, _CHUNK)], xin)

    @plsc.parallel_loop(0, _CHUNK, step=_L, unroll=4)
    def _loop(i):
        xout[pl.ds(i, _L)] = _elem(xin[pl.ds(i, _L)])

    pltpu.sync_copy(xout, out_hbm.at[pl.ds(base, _CHUNK)])


@functools.lru_cache(maxsize=None)
def _build_pam_sc():
    return pl.kernel(
        _sc_body,
        mesh=plsc.VectorSubcoreMesh(core_axis_name="c", subcore_axis_name="s"),
        out_type=jax.ShapeDtypeStruct((_SC_N,), jnp.float32),
        scratch_types=[
            pltpu.VMEM((_CHUNK,), jnp.float32),
            pltpu.VMEM((_CHUNK,), jnp.float32),
        ],
    )


def _tc_body(x_ref, o_ref):
    o_ref[...] = _elem(x_ref[...])


_TC_ROWS = _TC_N // 128
_TC_BLOCK = _TC_ROWS // 8


def _tc_call(x):
    return pl.pallas_call(
        _tc_body,
        out_shape=jax.ShapeDtypeStruct((_TC_ROWS, 128), jnp.float32),
        grid=(8,),
        in_specs=[pl.BlockSpec((_TC_BLOCK, 128), lambda i: (i, 0))],
        out_specs=pl.BlockSpec((_TC_BLOCK, 128), lambda i: (i, 0)),
    )(x)


def kernel(target_pressure):
    x = target_pressure.reshape(_N)
    sc_out = _build_pam_sc()(x[:_SC_N])
    tc_out = _tc_call(x[_SC_N:].reshape(_TC_ROWS, 128)).reshape(_TC_N)
    return jnp.concatenate([sc_out, tc_out]).reshape(_NE, _NCH)

# --- scband reference (transcript-rebuilt; emitter-appended) ---
"""Pipeline reference for scband-pam-delay-model-22393959481701 (READ-ONLY COPY).

The authoritative reference and input builder live on the scoring server;
editing this copy changes nothing except your own understanding.
"""

import jax, jax.numpy as jnp
import numpy as np
import math

DT = 0.005
MAX_DELAY = 0.5
BUFFER_LEN = math.ceil(MAX_DELAY / DT) + 2  # 102
TAU_P_AXIS = jnp.array([0.0, 0.25, 0.5, 0.75, 1.0], dtype=jnp.float32)
TAU_VALS = jnp.array([0.02, 0.03, 0.05, 0.08, 0.12], dtype=jnp.float32)
DEAD_P_AXIS = jnp.array([0.0, 0.25, 0.5, 0.75, 1.0], dtype=jnp.float32)
DEAD_VALS = jnp.array([0.0, 0.002, 0.01, 0.1, 0.4], dtype=jnp.float32)


def _interp_lut(x, xp, fp):
    # torch.bucketize(right=False) == searchsorted side='left'
    x_clamped = jnp.clip(x, xp[0], xp[-1])
    idx = jnp.clip(jnp.searchsorted(xp, x_clamped, side='left'), 1, xp.shape[0] - 1)
    x0 = xp[idx - 1]
    x1 = xp[idx]
    f0 = fp[idx - 1]
    f1 = fp[idx]
    t = (x_clamped - x0) / (x1 - x0 + 1e-12)
    return f0 + t * (f1 - f0)


def setup_inputs(seed: int = 0) -> dict:
    key = jax.random.key(seed)
    target_pressure = jax.random.uniform(key, (8192, 32), dtype=jnp.float32)
    return {"target_pressure": target_pressure}


def reference(target_pressure):
    num_envs, num_ch = target_pressure.shape
    # first-call state: freshly initialized buffers, write_ptr = 0
    pressure_buffer = jnp.zeros((num_envs, num_ch, BUFFER_LEN), dtype=jnp.float32)
    current_pressure = jnp.zeros((num_envs, num_ch), dtype=jnp.float32)
    write_ptr = 0

    L = _interp_lut(target_pressure, DEAD_P_AXIS, DEAD_VALS)
    tau = _interp_lut(target_pressure, TAU_P_AXIS, TAU_VALS)

    # scatter-overwrite into the circular delay buffer
    pressure_buffer = pressure_buffer.at[:, :, write_ptr].set(target_pressure)

    D = jnp.clip(L / DT, 0.0, BUFFER_LEN - 2.0)
    read_idx_float = jnp.mod(write_ptr - D, BUFFER_LEN)
    idx0 = jnp.floor(read_idx_float).astype(jnp.int32)
    idx1 = jnp.mod(idx0 + 1, BUFFER_LEN)
    alpha_idx = read_idx_float - idx0.astype(jnp.float32)

    val0 = jnp.take_along_axis(pressure_buffer, idx0[:, :, None], axis=2)[:, :, 0]
    val1 = jnp.take_along_axis(pressure_buffer, idx1[:, :, None], axis=2)[:, :, 0]
    delayed_input = (1.0 - alpha_idx) * val0 + alpha_idx * val1

    alpha_filter = DT / (tau + DT)
    current_pressure = (1.0 - alpha_filter) * current_pressure + alpha_filter * delayed_input
    return current_pressure

if __name__ == "__main__":
    import jax
    _d = setup_inputs()
    print(jax.jit(kernel)(*tuple(_d.values())))

</pallas_src>

<mosaic_0001>
#map = affine_map<(d0, d1) -> (0)>
module attributes {stable_mosaic.version = 14 : i64} {
  func.func @_sc_body(%arg0: i32, %arg1: i32, %arg2: memref<65536xf32, #tpu.memory_space<hbm>>, %arg3: memref<65536xf32, #tpu.memory_space<hbm>>, %arg4: memref<2048xf32, #tpu.memory_space<vmem>>, %arg5: memref<2048xf32, #tpu.memory_space<vmem>>) attributes {dimension_semantics = [#tpu.dimension_semantics<core_parallel>, #tpu.dimension_semantics<subcore_parallel>], iteration_bounds = array<i64: 2, 16>, scalar_prefetch = 0 : i64, scratch_operands = 2 : i64, tpu.core_type = #tpu.core_type<sc_vector_subcore>, window_params = [{transform_indices = #map}, {transform_indices = #map}]} {
    %mul3A = arith.constant 2 : i32
    %mul3A_0 = arith.muli %arg1, %mul3A : i32
    %add3A = arith.addi %mul3A_0, %arg0 : i32
    %mul3A_1 = arith.constant 2048 : i32
    %mul3A_2 = arith.muli %add3A, %mul3A_1 : i32
    "tpu.region"() ({
      %run_scoped3A = tpu.sem_alloc : memref<!tpu.dma_semaphore, #tpu.memory_space<semaphore_mem>>
      %dma_start3A = tpu.memref_slice %arg2[%mul3A_2] : memref<65536xf32, #tpu.memory_space<hbm>> -> memref<2048xf32, #tpu.memory_space<hbm>>
      %dma_start3A_5 = tpu.memref_slice %arg2[%mul3A_2] : memref<65536xf32, #tpu.memory_space<hbm>> -> memref<2048xf32, #tpu.memory_space<hbm>>
      tpu.enqueue_dma source(%dma_start3A_5 : memref<2048xf32, #tpu.memory_space<hbm>>) target(%arg4 : memref<2048xf32, #tpu.memory_space<vmem>>) target_semaphore(%run_scoped3A : memref<!tpu.dma_semaphore, #tpu.memory_space<semaphore_mem>>)
      %dma_wait3A = tpu.memref_slice %arg2[%mul3A_2] : memref<65536xf32, #tpu.memory_space<hbm>> -> memref<2048xf32, #tpu.memory_space<hbm>>
      %dma_wait3A_6 = tpu.memref_slice %arg2[%mul3A_2] : memref<65536xf32, #tpu.memory_space<hbm>> -> memref<2048xf32, #tpu.memory_space<hbm>>
      tpu.wait_dma2 semaphore(%run_scoped3A : memref<!tpu.dma_semaphore, #tpu.memory_space<semaphore_mem>>) src(%dma_wait3A_6 : memref<2048xf32, #tpu.memory_space<hbm>>) dst(%arg4 : memref<2048xf32, #tpu.memory_space<vmem>>)
      tpu.yield
    }) : () -> ()
    %parallel_loop3A = arith.constant 0 : i32
    %parallel_loop3A_3 = arith.constant 2048 : i32
    %parallel_loop3A_4 = arith.constant 16 : i32
    scf.for %parallel_loop3A_5 = %parallel_loop3A to %parallel_loop3A_3 step %parallel_loop3A_4  : i32 {
      %parallel_loop3A_6 = arith.index_cast %parallel_loop3A_5 : i32 to index
      %parallel_loop3A_7 = tpu.vector_load %arg4[%parallel_loop3A_6] {strides = array<i32>} : memref<2048xf32, #tpu.memory_space<vmem>>, vector<16xf32>,
      %parallel_loop3A_8 = vector.shape_cast %parallel_loop3A_7 : vector<16xf32> to vector<16xf32>
      %parallel_loop3A_9 = arith.constant 0.000000e+00 : f32
      %parallel_loop3A_10 = vector.broadcast %parallel_loop3A_9 : f32 to vector<16xf32>
      %parallel_loop3A_11 = arith.maximumf %parallel_loop3A_8, %parallel_loop3A_10 : vector<16xf32>
      %parallel_loop3A_12 = arith.constant 1.000000e+00 : f32
      %parallel_loop3A_13 = vector.broadcast %parallel_loop3A_12 : f32 to vector<16xf32>
      %parallel_loop3A_14 = arith.minimumf %parallel_loop3A_11, %parallel_loop3A_13 : vector<16xf32>
      %parallel_loop3A_15 = arith.constant 8.000000e-03 : f32
      %parallel_loop3A_16 = vector.broadcast %parallel_loop3A_15 : f32 to vector<16xf32>
      %parallel_loop3A_17 = arith.mulf %parallel_loop3A_14, %parallel_loop3A_16 : vector<16xf32>
      %parallel_loop3A_18 = arith.constant 0.000000e+00 : f32
      %parallel_loop3A_19 = vector.broadcast %parallel_loop3A_18 : f32 to vector<16xf32>
      %parallel_loop3A_20 = arith.addf %parallel_loop3A_17, %parallel_loop3A_19 : vector<16xf32>
      %parallel_loop3A_21 = arith.constant 3.200000e-02 : f32
      %parallel_loop3A_22 = vector.broadcast %parallel_loop3A_21 : f32 to vector<16xf32>
      %parallel_loop3A_23 = arith.mulf %parallel_loop3A_14, %parallel_loop3A_22 : vector<16xf32>
      %parallel_loop3A_24 = arith.constant -6.000000e-03 : f32
      %parallel_loop3A_25 = vector.broadcast %parallel_loop3A_24 : f32 to vector<16xf32>
      %parallel_loop3A_26 = arith.addf %parallel_loop3A_23, %parallel_loop3A_25 : vector<16xf32>
      %parallel_loop3A_27 = arith.maximumf %parallel_loop3A_20, %parallel_loop3A_26 : vector<16xf32>
      %parallel_loop3A_28 = arith.constant 3.600000e-01 : f32
      %parallel_loop3A_29 = vector.broadcast %parallel_loop3A_28 : f32 to vector<16xf32>
      %parallel_loop3A_30 = arith.mulf %parallel_loop3A_14, %parallel_loop3A_29 : vector<16xf32>
      %parallel_loop3A_31 = arith.constant -1.700000e-01 : f32
      %parallel_loop3A_32 = vector.broadcast %parallel_loop3A_31 : f32 to vector<16xf32>
      %parallel_loop3A_33 = arith.addf %parallel_loop3A_30, %parallel_loop3A_32 : vector<16xf32>
      %parallel_loop3A_34 = arith.constant 1.200000e+00 : f32
      %parallel_loop3A_35 = vector.broadcast %parallel_loop3A_34 : f32 to vector<16xf32>
      %parallel_loop3A_36 = arith.mulf %parallel_loop3A_14, %parallel_loop3A_35 : vector<16xf32>
      %parallel_loop3A_37 = arith.constant -8.000000e-01 : f32
      %parallel_loop3A_38 = vector.broadcast %parallel_loop3A_37 : f32 to vector<16xf32>
      %parallel_loop3A_39 = arith.addf %parallel_loop3A_36, %parallel_loop3A_38 : vector<16xf32>
      %parallel_loop3A_40 = arith.maximumf %parallel_loop3A_33, %parallel_loop3A_39 : vector<16xf32>
      %parallel_loop3A_41 = arith.maximumf %parallel_loop3A_27, %parallel_loop3A_40 : vector<16xf32>
      %parallel_loop3A_42 = arith.constant 4.000000e-02 : f32
      %parallel_loop3A_43 = vector.broadcast %parallel_loop3A_42 : f32 to vector<16xf32>
      %parallel_loop3A_44 = arith.mulf %parallel_loop3A_14, %parallel_loop3A_43 : vector<16xf32>
      %parallel_loop3A_45 = arith.constant 2.000000e-02 : f32
      %parallel_loop3A_46 = vector.broadcast %parallel_loop3A_45 : f32 to vector<16xf32>
      %parallel_loop3A_47 = arith.addf %parallel_loop3A_44, %parallel_loop3A_46 : vector<16xf32>
      %parallel_loop3A_48 = arith.constant 8.000000e-02 : f32
      %parallel_loop3A_49 = vector.broadcast %parallel_loop3A_48 : f32 to vector<16xf32>
      %parallel_loop3A_50 = arith.mulf %parallel_loop3A_14, %parallel_loop3A_49 : vector<16xf32>
      %parallel_loop3A_51 = arith.constant 0.00999999977 : f32
      %parallel_loop3A_52 = vector.broadcast %parallel_loop3A_51 : f32 to vector<16xf32>
      %parallel_loop3A_53 = arith.addf %parallel_loop3A_50, %parallel_loop3A_52 : vector<16xf32>
      %parallel_loop3A_54 = arith.maximumf %parallel_loop3A_47, %parallel_loop3A_53 : vector<16xf32>
      %parallel_loop3A_55 = arith.constant 1.200000e-01 : f32
      %parallel_loop3A_56 = vector.broadcast %parallel_loop3A_55 : f32 to vector<16xf32>
      %parallel_loop3A_57 = arith.mulf %parallel_loop3A_14, %parallel_loop3A_56 : vector<16xf32>
      %parallel_loop3A_58 = arith.constant -0.00999999977 : f32
      %parallel_loop3A_59 = vector.broadcast %parallel_loop3A_58 : f32 to vector<16xf32>
      %parallel_loop3A_60 = arith.addf %parallel_loop3A_57, %parallel_loop3A_59 : vector<16xf32>
      %parallel_loop3A_61 = arith.constant 1.600000e-01 : f32
      %parallel_loop3A_62 = vector.broadcast %parallel_loop3A_61 : f32 to vector<16xf32>
      %parallel_loop3A_63 = arith.mulf %parallel_loop3A_14, %parallel_loop3A_62 : vector<16xf32>
      %parallel_loop3A_64 = arith.constant -4.000000e-02 : f32
      %parallel_loop3A_65 = vector.broadcast %parallel_loop3A_64 : f32 to vector<16xf32>
      %parallel_loop3A_66 = arith.addf %parallel_loop3A_63, %parallel_loop3A_65 : vector<16xf32>
      %parallel_loop3A_67 = arith.maximumf %parallel_loop3A_60, %parallel_loop3A_66 : vector<16xf32>
      %parallel_loop3A_68 = arith.maximumf %parallel_loop3A_54, %parallel_loop3A_67 : vector<16xf32>
      %parallel_loop3A_69 = arith.constant 2.000000e+02 : f32
      %parallel_loop3A_70 = vector.broadcast %parallel_loop3A_69 : f32 to vector<16xf32>
      %parallel_loop3A_71 = arith.mulf %parallel_loop3A_41, %parallel_loop3A_70 : vector<16xf32>
      %parallel_loop3A_72 = arith.constant 1.020000e+02 : f32
      %parallel_loop3A_73 = vector.broadcast %parallel_loop3A_72 : f32 to vector<16xf32>
      %parallel_loop3A_74 = arith.subf %parallel_loop3A_73, %parallel_loop3A_71 : vector<16xf32>
      %parallel_loop3A_75 = arith.constant 1.010000e+02 : f32
      %parallel_loop3A_76 = vector.broadcast %parallel_loop3A_75 : f32 to vector<16xf32>
      %parallel_loop3A_77 = arith.subf %parallel_loop3A_74, %parallel_loop3A_76 : vector<16xf32>
      %parallel_loop3A_78 = arith.constant 0.000000e+00 : f32
      %parallel_loop3A_79 = vector.broadcast %parallel_loop3A_78 : f32 to vector<16xf32>
      %parallel_loop3A_80 = arith.maximumf %parallel_loop3A_77, %parallel_loop3A_79 : vector<16xf32>
      %parallel_loop3A_81 = arith.constant 1.000000e+00 : f32
      %parallel_loop3A_82 = vector.broadcast %parallel_loop3A_81 : f32 to vector<16xf32>
      %parallel_loop3A_83 = arith.minimumf %parallel_loop3A_80, %parallel_loop3A_82 : vector<16xf32>
      %parallel_loop3A_84 = arith.constant 1.020000e+02 : f32
      %parallel_loop3A_85 = vector.broadcast %parallel_loop3A_84 : f32 to vector<16xf32>
      %parallel_loop3A_86 = arith.cmpf oge, %parallel_loop3A_74, %parallel_loop3A_85 : vector<16xf32>
      %parallel_loop3A_87 = arith.constant 0.000000e+00 : f32
      %parallel_loop3A_88 = vector.broadcast %parallel_loop3A_87 : f32 to vector<16xf32>
      %parallel_loop3A_89 = arith.select %parallel_loop3A_86, %parallel_loop3A_88, %parallel_loop3A_83 : vector<16xi1>, vector<16xf32>
      %parallel_loop3A_90 = arith.constant 0.000000e+00 : f32
      %parallel_loop3A_91 = vector.broadcast %parallel_loop3A_90 : f32 to vector<16xf32>
      %parallel_loop3A_92 = arith.cmpf oeq, %parallel_loop3A_71, %parallel_loop3A_91 : vector<16xf32>
      %parallel_loop3A_93 = arith.constant 1.000000e+00 : f32
      %parallel_loop3A_94 = vector.broadcast %parallel_loop3A_93 : f32 to vector<16xf32>
      %parallel_loop3A_95 = arith.select %parallel_loop3A_92, %parallel_loop3A_94, %parallel_loop3A_89 : vector<16xi1>, vector<16xf32>
      %parallel_loop3A_96 = arith.constant 5.000000e-03 : f32
      %parallel_loop3A_97 = vector.broadcast %parallel_loop3A_96 : f32 to vector<16xf32>
      %parallel_loop3A_98 = arith.addf %parallel_loop3A_68, %parallel_loop3A_97 : vector<16xf32>
      %parallel_loop3A_99 = arith.constant 5.000000e-03 : f32
      %parallel_loop3A_100 = vector.broadcast %parallel_loop3A_99 : f32 to vector<16xf32>
      %parallel_loop3A_101 = arith.divf %parallel_loop3A_100, %parallel_loop3A_98 : vector<16xf32>
      %parallel_loop3A_102 = arith.mulf %parallel_loop3A_95, %parallel_loop3A_8 : vector<16xf32>
      %parallel_loop3A_103 = arith.mulf %parallel_loop3A_101, %parallel_loop3A_102 : vector<16xf32>
      %parallel_loop3A_104 = arith.index_cast %parallel_loop3A_5 : i32 to index
      %parallel_loop3A_105 = tpu.vector_load %arg5[%parallel_loop3A_104] {strides = array<i32>} : memref<2048xf32, #tpu.memory_space<vmem>>, vector<16xf32>,
      %parallel_loop3A_106 = vector.shape_cast %parallel_loop3A_105 : vector<16xf32> to vector<16xf32>
      %parallel_loop3A_107 = vector.shape_cast %parallel_loop3A_103 : vector<16xf32> to vector<16xf32>
      tpu.vector_store %arg5[%parallel_loop3A_104], %parallel_loop3A_107 {strides = array<i32>} : memref<2048xf32, #tpu.memory_space<vmem>>, vector<16xf32>,
    } {sc.loop_unroll_factor = 4 : i64, sc.parallel_access}
    "tpu.region"() ({
      %run_scoped3A = tpu.sem_alloc : memref<!tpu.dma_semaphore, #tpu.memory_space<semaphore_mem>>
      %dma_start3A = tpu.memref_slice %arg3[%mul3A_2] : memref<65536xf32, #tpu.memory_space<hbm>> -> memref<2048xf32, #tpu.memory_space<hbm>>
      %dma_start3A_5 = tpu.memref_slice %arg3[%mul3A_2] : memref<65536xf32, #tpu.memory_space<hbm>> -> memref<2048xf32, #tpu.memory_space<hbm>>
      tpu.enqueue_dma source(%arg5 : memref<2048xf32, #tpu.memory_space<vmem>>) target(%dma_start3A_5 : memref<2048xf32, #tpu.memory_space<hbm>>) target_semaphore(%run_scoped3A : memref<!tpu.dma_semaphore, #tpu.memory_space<semaphore_mem>>)
      %dma_wait3A = tpu.memref_slice %arg3[%mul3A_2] : memref<65536xf32, #tpu.memory_space<hbm>> -> memref<2048xf32, #tpu.memory_space<hbm>>
      %dma_wait3A_6 = tpu.memref_slice %arg3[%mul3A_2] : memref<65536xf32, #tpu.memory_space<hbm>> -> memref<2048xf32, #tpu.memory_space<hbm>>
      tpu.wait_dma2 semaphore(%run_scoped3A : memref<!tpu.dma_semaphore, #tpu.memory_space<semaphore_mem>>) src(%arg5 : memref<2048xf32, #tpu.memory_space<vmem>>) dst(%dma_wait3A_6 : memref<2048xf32, #tpu.memory_space<hbm>>)
      tpu.yield
    }) : () -> ()
    return
  }
}

module attributes {stable_mosaic.version = 14 : i64} {
  func.func @_tc_body(%arg0: i32, %arg1: memref<192x128xf32, #tpu.memory_space<vmem>>, %arg2: memref<192x128xf32, #tpu.memory_space<vmem>>) attributes {dimension_semantics = [#tpu.dimension_semantics<arbitrary>], iteration_bounds = array<i64: 8>, scalar_prefetch = 0 : i64, scratch_operands = 0 : i64, tpu.core_type = #tpu.core_type<tc>, window_params = [{transform_indices = @transform_0, window_bounds = array<i64: 192, 128>}, {transform_indices = @transform_1, window_bounds = array<i64: 192, 128>}]} {
    %get3A = arith.constant 0 : index
    %get3A_0 = arith.constant 0 : index
    %get3A_1 = vector.load %arg1[%get3A, %get3A_0] : memref<192x128xf32, #tpu.memory_space<vmem>>, vector<192x128xf32>
    %max3A = arith.constant 0.000000e+00 : f32
    %max3A_2 = vector.broadcast %max3A : f32 to vector<192x128xf32>
    %max3A_3 = arith.maximumf %get3A_1, %max3A_2 : vector<192x128xf32>
    %min3A = arith.constant 1.000000e+00 : f32
    %min3A_4 = vector.broadcast %min3A : f32 to vector<192x128xf32>
    %min3A_5 = arith.minimumf %max3A_3, %min3A_4 : vector<192x128xf32>
    %mul3A = arith.constant 8.000000e-03 : f32
    %mul3A_6 = vector.broadcast %mul3A : f32 to vector<192x128xf32>
    %mul3A_7 = arith.mulf %min3A_5, %mul3A_6 : vector<192x128xf32>
    %add3A = arith.constant 0.000000e+00 : f32
    %add3A_8 = vector.broadcast %add3A : f32 to vector<192x128xf32>
    %add3A_9 = arith.addf %mul3A_7, %add3A_8 : vector<192x128xf32>
    %mul3A_10 = arith.constant 3.200000e-02 : f32
    %mul3A_11 = vector.broadcast %mul3A_10 : f32 to vector<192x128xf32>
    %mul3A_12 = arith.mulf %min3A_5, %mul3A_11 : vector<192x128xf32>
    %add3A_13 = arith.constant -6.000000e-03 : f32
    %add3A_14 = vector.broadcast %add3A_13 : f32 to vector<192x128xf32>
    %add3A_15 = arith.addf %mul3A_12, %add3A_14 : vector<192x128xf32>
    %max3A_16 = arith.maximumf %add3A_9, %add3A_15 : vector<192x128xf32>
    %mul3A_17 = arith.constant 3.600000e-01 : f32
    %mul3A_18 = vector.broadcast %mul3A_17 : f32 to vector<192x128xf32>
    %mul3A_19 = arith.mulf %min3A_5, %mul3A_18 : vector<192x128xf32>
    %add3A_20 = arith.constant -1.700000e-01 : f32
    %add3A_21 = vector.broadcast %add3A_20 : f32 to vector<192x128xf32>
    %add3A_22 = arith.addf %mul3A_19, %add3A_21 : vector<192x128xf32>
    %mul3A_23 = arith.constant 1.200000e+00 : f32
    %mul3A_24 = vector.broadcast %mul3A_23 : f32 to vector<192x128xf32>
    %mul3A_25 = arith.mulf %min3A_5, %mul3A_24 : vector<192x128xf32>
    %add3A_26 = arith.constant -8.000000e-01 : f32
    %add3A_27 = vector.broadcast %add3A_26 : f32 to vector<192x128xf32>
    %add3A_28 = arith.addf %mul3A_25, %add3A_27 : vector<192x128xf32>
    %max3A_29 = arith.maximumf %add3A_22, %add3A_28 : vector<192x128xf32>
    %max3A_30 = arith.maximumf %max3A_16, %max3A_29 : vector<192x128xf32>
    %mul3A_31 = arith.constant 4.000000e-02 : f32
    %mul3A_32 = vector.broadcast %mul3A_31 : f32 to vector<192x128xf32>
    %mul3A_33 = arith.mulf %min3A_5, %mul3A_32 : vector<192x128xf32>
    %add3A_34 = arith.constant 2.000000e-02 : f32
    %add3A_35 = vector.broadcast %add3A_34 : f32 to vector<192x128xf32>
    %add3A_36 = arith.addf %mul3A_33, %add3A_35 : vector<192x128xf32>
    %mul3A_37 = arith.constant 8.000000e-02 : f32
    %mul3A_38 = vector.broadcast %mul3A_37 : f32 to vector<192x128xf32>
    %mul3A_39 = arith.mulf %min3A_5, %mul3A_38 : vector<192x128xf32>
    %add3A_40 = arith.constant 0.00999999977 : f32
    %add3A_41 = vector.broadcast %add3A_40 : f32 to vector<192x128xf32>
    %add3A_42 = arith.addf %mul3A_39, %add3A_41 : vector<192x128xf32>
    %max3A_43 = arith.maximumf %add3A_36, %add3A_42 : vector<192x128xf32>
    %mul3A_44 = arith.constant 1.200000e-01 : f32
    %mul3A_45 = vector.broadcast %mul3A_44 : f32 to vector<192x128xf32>
    %mul3A_46 = arith.mulf %min3A_5, %mul3A_45 : vector<192x128xf32>
    %add3A_47 = arith.constant -0.00999999977 : f32
    %add3A_48 = vector.broadcast %add3A_47 : f32 to vector<192x128xf32>
    %add3A_49 = arith.addf %mul3A_46, %add3A_48 : vector<192x128xf32>
    %mul3A_50 = arith.constant 1.600000e-01 : f32
    %mul3A_51 = vector.broadcast %mul3A_50 : f32 to vector<192x128xf32>
    %mul3A_52 = arith.mulf %min3A_5, %mul3A_51 : vector<192x128xf32>
    %add3A_53 = arith.constant -4.000000e-02 : f32
    %add3A_54 = vector.broadcast %add3A_53 : f32 to vector<192x128xf32>
    %add3A_55 = arith.addf %mul3A_52, %add3A_54 : vector<192x128xf32>
    %max3A_56 = arith.maximumf %add3A_49, %add3A_55 : vector<192x128xf32>
    %max3A_57 = arith.maximumf %max3A_43, %max3A_56 : vector<192x128xf32>
    %mul3A_58 = arith.constant 2.000000e+02 : f32
    %mul3A_59 = vector.broadcast %mul3A_58 : f32 to vector<192x128xf32>
    %mul3A_60 = arith.mulf %max3A_30, %mul3A_59 : vector<192x128xf32>
    %sub3A = arith.constant 1.020000e+02 : f32
    %sub3A_61 = vector.broadcast %sub3A : f32 to vector<192x128xf32>
    %sub3A_62 = arith.subf %sub3A_61, %mul3A_60 : vector<192x128xf32>
    %sub3A_63 = arith.constant 1.010000e+02 : f32
    %sub3A_64 = vector.broadcast %sub3A_63 : f32 to vector<192x128xf32>
    %sub3A_65 = arith.subf %sub3A_62, %sub3A_64 : vector<192x128xf32>
    %max3A_66 = arith.constant 0.000000e+00 : f32
    %max3A_67 = vector.broadcast %max3A_66 : f32 to vector<192x128xf32>
    %max3A_68 = arith.maximumf %sub3A_65, %max3A_67 : vector<192x128xf32>
    %min3A_69 = arith.constant 1.000000e+00 : f32
    %min3A_70 = vector.broadcast %min3A_69 : f32 to vector<192x128xf32>
    %min3A_71 = arith.minimumf %max3A_68, %min3A_70 : vector<192x128xf32>
    %ge3A = arith.constant 1.020000e+02 : f32
    %ge3A_72 = vector.broadcast %ge3A : f32 to vector<192x128xf32>
    %ge3A_73 = arith.cmpf oge, %sub3A_62, %ge3A_72 : vector<192x128xf32>
    %jit3A = arith.constant 0.000000e+00 : f32
    %broadcast_in_dim3A = vector.broadcast %jit3A : f32 to vector<192x128xf32>
    %select_n3A = arith.select %ge3A_73, %broadcast_in_dim3A, %min3A_71 : vector<192x128xi1>, vector<192x128xf32>
    %eq3A = arith.constant 0.000000e+00 : f32
    %eq3A_74 = vector.broadcast %eq3A : f32 to vector<192x128xf32>
    %eq3A_75 = arith.cmpf oeq, %mul3A_60, %eq3A_74 : vector<192x128xf32>
    %jit3A_76 = arith.constant 1.000000e+00 : f32
    %broadcast_in_dim3A_77 = vector.broadcast %jit3A_76 : f32 to vector<192x128xf32>
    %select_n3A_78 = arith.select %eq3A_75, %broadcast_in_dim3A_77, %select_n3A : vector<192x128xi1>, vector<192x128xf32>
    %add3A_79 = arith.constant 5.000000e-03 : f32
    %add3A_80 = vector.broadcast %add3A_79 : f32 to vector<192x128xf32>
    %add3A_81 = arith.addf %max3A_57, %add3A_80 : vector<192x128xf32>
    %div3A = arith.constant 5.000000e-03 : f32
    %div3A_82 = vector.broadcast %div3A : f32 to vector<192x128xf32>
    %div3A_83 = arith.divf %div3A_82, %add3A_81 : vector<192x128xf32>
    %mul3A_84 = arith.mulf %select_n3A_78, %get3A_1 : vector<192x128xf32>
    %mul3A_85 = arith.mulf %div3A_83, %mul3A_84 : vector<192x128xf32>
    %swap3A = arith.constant 0 : index
    %swap3A_86 = arith.constant 0 : index
    %swap3A_87 = vector.load %arg2[%swap3A, %swap3A_86] : memref<192x128xf32, #tpu.memory_space<vmem>>, vector<192x128xf32>
    tpu.vector_store %arg2[%swap3A, %swap3A_86], %mul3A_85 {strides = array<i32>} : memref<192x128xf32, #tpu.memory_space<vmem>>, vector<192x128xf32>,
    return
  }
  func.func @transform_0(%arg0: i32) -> (i32, i32) {
    %c0_i32 = arith.constant 0 : i32
    %c0_i32_0 = arith.constant 0 : i32
    return %arg0, %c0_i32 : i32, i32
  }
  func.func @transform_1(%arg0: i32) -> (i32, i32) {
    %c0_i32 = arith.constant 0 : i32
    %c0_i32_0 = arith.constant 0 : i32
    return %arg0, %c0_i32 : i32, i32
  }
}

</mosaic_0001>

<sc_bundles>
// kernel: kernel.4.cloned.1.call-start
scs
__scs_entry_jumppad:
0x0: {  	(pc) =	sbr.rel $0x88, $3  }
0x1: {  	(tag) =	ssettag $0x0;
	lr =	simm.s32 $0x1  }
0x2: {  	[smem:$0x3FA0] =	sst lr;
	_ =	strace $0xD0000000  }
0x3: {  	_ = 	snop  }
0x4: {  	_ = 	snop  }
0x5: {  	_ = 	snop  }
0x6: {  	_ = 	snop  }
0x7: {  	_ = 	snop  }
__scs_overlays_trampoline_lowered:
0x8: {  	[smem:$0x3FAF] =	sst s0  }
0x9: {  	[smem:$0x3FB0] =	sst s1  }
0xa: {  	[smem:$0x3FB1] =	sst s2  }
0xb: {  	[smem:$0x3FB2] =	sst s3  }
0xc: {  	[smem:$0x3FB3] =	sst s4  }
0xd: {  	[smem:$0x3FB4] =	sst s5  }
0xe: {  	[smem:$0x3FB5] =	sst s6  }
0xf: {  	[smem:$0x3FB6] =	sst s7  }
0x10: {  	[smem:$0x3FB7] =	sst s8  }
0x11: {  	[smem:$0x3FB8] =	sst s9;
	s0 =	simm.s32 @!p0 $0x0  }
0x12: {  	s1 =	sld [smem:$0x3F9E];
	s0 =	simm.s32 @p0 $0x1  }
0x13: {  	[smem:$0x3FB9] =	sst s0;
	s0 =	simm.s32 @!p1 $0x0  }
0x14: {  	s2 =	sld [smem:$0x3F9D];
	s0 =	simm.s32 @p1 $0x1  }
0x15: {  	[smem:$0x3FBA] =	sst s0;
	s0 =	simm.s32 @!p2 $0x0  }
0x16: {  	s3 =	sld [smem:$0x3FDB];
	s0 =	simm.s32 @p2 $0x1  }
0x17: {  	s4 =	simm.s32 $0x1BF5;
	[smem:$0x3FBC] =	sst s0  }
0x18: {  	s0 =	sld [smem:$0x3F9F];
	_ =	swait.ge [sflag:s4], $0x0  }
0x19: {  	s7 =	sld [smem:$0x3FA0]  }
0x1a: {  	s8 =	sadd.s32 $0xFFFFE003, lr  }
0x1b: {  	s9 =	sadd.s32 $0xFFFFFEF7, lr;
	s5 =	simm.s32 $0xFFFFFFFF;
	p2 =	slt.u32 s8, $0xFFFFF086  }
0x1c: {  	p1 =	slt.u32 s9, $0xF7A;
	s5 =	simm.s32 @!p2 $0x0  }
0x1d: {  	s5 =	simm.s32 @p1 $0x1;
	p0 =	seq.s32 s7, s2  }
0x1e: {  	s7 =	smul.u32 @!p0 $0xF7A, s2;
	p2 =	seq.s32 @!p0 s5, $0x0  }
0x1f: {  	s9 =	smul.u32 $0xF7A, s1;
	s8 =	simm.s32 @!p0 $0x1BF5;
	p2 =	por !p2, p0  }
0x20: {  	[sflag:s8] =	ssyncset.s32 @!p0 $0xFFFFF086;
	s6 =	sadd.s32 @!p0 s3, s7;
	s7 =	simm.s32 @!p0 $0x108  }
0x21: {  	s3 =	sadd.s32 s3, s9;
	s6 =	sadd.s32 @!p0 $0x88, s6;
	s7 =	simm.s32 @p2 $0x1082  }
0x22: {  	[simem:s7], [sflag:s8] =	dma.local @!p0 [hbm:s6], $0xF7A  }
0x23: {  	s9 =	sor.u32 $0xD0000000, s2;
	s6 =	simm.s32 $0x108;
	_ =	swait.ge @!p0 [sflag:s8], $0x0  }
0x24: {  	s3 =	sadd.s32 $0x88, s3;
	s6 =	simm.s32 @!p1 $0x1082;
	[sflag:s4] =	ssyncset.s32 $0xFFFFF086  }
0x25: {  	[simem:s6], [sflag:s4] =	dma.local [hbm:s3], $0xF7A  }
0x26: {  	[smem:$0x3FA0] =	sst s1;
	(tag) =	ssettag s2;
	_ =	strace s9  }
0x27: {  	s1 =	sld [smem:$0x3FB0]  }
0x28: {  	s2 =	sld [smem:$0x3FB1]  }
0x29: {  	s4 =	sld [smem:$0x3FB3]  }
0x2a: {  	p0 =	seq.s32 s5, $0x0;
	s5 =	sld [smem:$0x3FB4]  }
0x2b: {  	s6 =	sld [smem:$0x3FB5]  }
0x2c: {  	s7 =	sld [smem:$0x3FB6]  }
0x2d: {  	s3 =	simm.s32 $0x108;
	s8 =	sld [smem:$0x3FB7]  }
0x2e: {  	s3 =	simm.s32 @!p0 $0x1082;
	s9 =	sld [smem:$0x3FB8]  }
0x2f: {  	lr =	sadd.s32 s0, s3;
	s0 =	sld [smem:$0x3FAF]  }
0x30: {  	s3 =	sld [smem:$0x3FB2]  }
0x31: {  	[smem:$0x3FBB] =	sst s10  }
0x32: {  	s10 =	sld [smem:$0x3FB9];
	_ =	sdelay $0x3  }
0x33: {  	p0 =	seq.s32 s10, $0x1;
	s10 =	sld [smem:$0x3FBB];
	_ =	sdelay $0x3  }
0x34: {  	[smem:$0x3FBB] =	sst s10  }
0x35: {  	s10 =	sld [smem:$0x3FBA];
	_ =	sdelay $0x3  }
0x36: {  	p1 =	seq.s32 s10, $0x1;
	s10 =	sld [smem:$0x3FBB];
	_ =	sdelay $0x3  }
0x37: {  	[smem:$0x3FBB] =	sst s10  }
0x38: {  	s10 =	sld [smem:$0x3FBC]  }
0x39: {  	_ = 	snop;
	(pc) =	sbr.ind lr, $3  }
0x3a: {  	_ = 	snop  }
0x3b: {  	_ = 	snop  }
0x3c: {  	p2 =	seq.s32 s10, $0x1;
	s10 =	sld [smem:$0x3FBB]  }
0x3d: {  	_ =	shalt  }
0x3e: {  	_ =	shalt  }
0x3f: {  	_ =	shalt  }
0x40: {  	_ =	shalt  }
0x41: {  	_ =	shalt  }
0x42: {  	_ =	shalt  }
0x43: {  	_ =	shalt  }
0x44: {  	_ =	shalt  }
0x45: {  	_ =	shalt  }
0x46: {  	_ =	shalt  }
0x47: {  	_ =	shalt  }
0x48: {  	_ =	shalt  }
0x49: {  	_ =	shalt  }
0x4a: {  	_ =	shalt  }
0x4b: {  	_ =	shalt  }
0x4c: {  	_ =	shalt  }
0x4d: {  	_ =	shalt  }
0x4e: {  	_ =	shalt  }
0x4f: {  	_ =	shalt  }
0x50: {  	_ =	shalt  }
0x51: {  	_ =	shalt  }
0x52: {  	_ =	shalt  }
0x53: {  	_ =	shalt  }
0x54: {  	_ =	shalt  }
0x55: {  	_ =	shalt  }
0x56: {  	_ =	shalt  }
0x57: {  	_ =	shalt  }
0x58: {  	_ =	shalt  }
0x59: {  	_ =	shalt  }
0x5a: {  	_ =	shalt  }
0x5b: {  	_ =	shalt  }
0x5c: {  	_ =	shalt  }
0x5d: {  	_ =	shalt  }
0x5e: {  	_ =	shalt  }
0x5f: {  	_ =	shalt  }
0x60: {  	_ =	shalt  }
0x61: {  	_ =	shalt  }
0x62: {  	_ =	shalt  }
0x63: {  	_ =	shalt  }
0x64: {  	_ =	shalt  }
0x65: {  	_ =	shalt  }
0x66: {  	_ =	shalt  }
0x67: {  	_ =	shalt  }
0x68: {  	_ =	shalt  }
0x69: {  	_ =	shalt  }
0x6a: {  	_ =	shalt  }
0x6b: {  	_ =	shalt  }
0x6c: {  	_ =	shalt  }
0x6d: {  	_ =	shalt  }
0x6e: {  	_ =	shalt  }
0x6f: {  	_ =	shalt  }
0x70: {  	_ =	shalt  }
0x71: {  	_ =	shalt  }
0x72: {  	_ =	shalt  }
0x73: {  	_ =	shalt  }
0x74: {  	_ =	shalt  }
0x75: {  	_ =	shalt  }
0x76: {  	_ =	shalt  }
0x77: {  	_ =	shalt  }
0x78: {  	_ =	shalt  }
0x79: {  	_ =	shalt  }
0x7a: {  	_ =	shalt  }
0x7b: {  	_ =	shalt  }
0x7c: {  	_ =	shalt  }
0x7d: {  	_ =	shalt  }
0x7e: {  	_ =	shalt  }
0x7f: {  	_ =	shalt  }
0x80: {  	_ =	shalt  }
0x81: {  	_ =	shalt  }
0x82: {  	_ =	shalt  }
0x83: {  	_ =	shalt  }
0x84: {  	_ =	shalt  }
0x85: {  	_ =	shalt  }
0x86: {  	_ =	shalt  }
0x87: {  	_ =	shalt  }
.Lfunc_end0:
.L_simem_size_0:
called_computation_lowered:
.L_overlay_start_0:
0x88: {  	s2 =	sld [smem:$0x3FD9]  }
0x89: {  	s3 =	sld [smem:$0x3FFE];
	_ =	sdelay $0x1  }
0x8a: {  	s1 =	srdreg.scid  }
0x8b: {  	s0 =	sand.u32 $0x1, s1  }
0x8c: {  	s17 =	sshll.u32 s0, $0xA;
	s2 =	sadd.s32 s3, s2  }
0x8d: {  	s2 =	sadd.s32 s2, s17  }
0x8e: {  	[smem:$0x3FC7] =	sst s2  }
0x8f: {  	_ = 	snop  }
0x90: {  	s2 =	sld [smem:$0x3FD0];
	(tm) =	ssettm $0x1  }
0x91: {  	s18 =	sld [smem:$0x3FFB];
	_ =	sdelay $0x3  }
0x92: {  	_ =	strace s18  }
0x93: {  	s3 =	sld [smem:$0x3FFC];
	_ =	sdelay $0x3  }
0x94: {  	_ =	strace s3  }
0x95: {  	s3 =	sld [smem:$0x3FFD];
	_ =	sdelay $0x3  }
0x96: {  	_ =	strace s3  }
0x97: {  	_ =	strace $0x8FFFFFFF  }
0x98: {  	s19 =	sld [smem:$0x3FDB];
	_ =	sdelay $0x1  }
0x99: {  	s4 =	simm.s32 $_scs_section_size  }
0x9a: {  	s5 =	simm.s32 $_size__tile_overlayer_lowered;
	s6 =	simm.s32 $_tile_overlayer_lowered  }
0x9b: {  	s22 =	simm.s32 $0x1BFF;
	s21 =	sshll.u32 s6, $0x1;
	s3 =	sadd.s32 s4, s19  }
0x9c: {  	s7 =	simm.s32 $0x0;
	s20 =	sshll.u32 s5, $0x1;
	s5 =	sadd.s32 s21, s3  }
0x9d: {  	[timem:s7], [sflag:s22] =	dma.local [hbm:s5], s20  }
0x9e: {  	_ =	swait.ge [sflag:s22], s20  }
0x9f: {  	s4 =	ssub.s32 $0x0, s20;
	[sflag:s22] =	ssyncset.done $0x0  }
0xa0: {  	[sflag:s22] =	ssyncadd.s32 s4;
	_ =	sdelay $0x1  }
0xa1: {  	s23 =	simm.s32 $0x1B8B  }
0xa2: {  	_ =	swait.ge [sflag:s23], $0x1  }
0xa3: {  	[sflag:s23] =	ssyncset.done $0x0  }
0xa4: {  	s25 =	simm.s32 $0x1B8E;
	s24 =	sld [smem:$0x3FFE];
	[sflag:s23] =	ssyncadd.s32 $0xFFFFFFFF  }
0xa5: {  	s26 =	simm.s32 $execute0_lowered;
	[smem:$0x3FD2] =	sst s25  }
0xa6: {  	s5 =	sshll.u32 s26, $0x1;
	_ =	strace $0x80000046;
	[dreg:$0x1] =	wrdreg $0xFFFFFFFF  }
0xa7: {  	s28 =	simm.s32 $_size_execute0_lowered;
	s3 =	sadd.s32 s3, s5;
	[dreg:$0x0] =	wrdreg $0x0  }
0xa8: {  	s5 =	sshll.u32 s28, $0x1;
	[dreg:$0x2] =	wrdreg s3  }
0xa9: {  	[dreg:$0x3] =	wrdreg s5  }
0xaa: {  	[dreg:$0x4] =	wrdreg $0xC0  }
0xab: {  	_ =	task [dreg:s7], $0x5FFFF  }
0xac: {  	[dreg:$0x1] =	wrdreg $0xFFFFFFFF  }
0xad: {  	[dreg:$0x0] =	wrdreg $0x60  }
0xae: {  	[dreg:$0x2] =	wrdreg s2  }
0xaf: {  	[dreg:$0x3] =	wrdreg s24  }
0xb0: {  	[dreg:$0x4] =	wrdreg $0x9  }
0xb1: {  	_ =	task.clear_ibuf [dreg:s7], $0x5FFFF;
	_ =	strace $0x90000046  }
0xb2: {  	s29 =	simm.s32 $0x9;
	_ =	strace $0x80000048  }
0xb3: {  	_ =	swait.ge [sflag:s29], $0x1  }
0xb4: {  	[sflag:s29] =	ssyncadd.s32 $0xFFFFFFFF  }
0xb5: {  	_ =	strace $0x90000048  }
0xb6: {  	_ =	sfence  }
0xb7: {  	s30 =	sld [smem:$0x0];
	_ =	sdelay $0x2  }
0xb8: {  	s31 =	sshll.u32 s1, $0xD;
	s1 =	sshrl.u32 s1, $0x2  }
0xb9: {  	s3 =	sand.u32 $0x4000, s31;
	s1 =	sadd.s32 s1, s30  }
0xba: {  	s0 =	sor.u32 s3, s0;
	s1 =	sshll.u32 s1, $0x11  }
0xbb: {  	s0 =	sor.u32 s1, s0  }
0xbc: {  	s0 =	sadd.s32 $0x8F2B, s0  }
0xbd: {  	[sflag:s0] =	ssyncadd.remote.s32 $0x1  }
0xbe: {  	_ =	sfence.sel $0xFFFF  }
0xbf: {  	[dreg:$0x0] =	wrdreg $0xFFFFFFFF;
	(pc) =	sbr.abs _section_cstart, $3  }
0xc0: {  	[dreg:$0x1] =	wrdreg $0xFFFFFFFF  }
0xc1: {  	_ =	task.clear_ibuf [dreg:s7], $0x2FFFF;
	_ =	strace $0x9FFFFFFF  }
0xc2: {  	(tm) =	ssettm $0x7FFFFFFF  }
0xc3: {  	_ =	shalt  }
tec
execute0_lowered:
.L_overlay_start_1:
0x0: {  	(tag) =	ssettag $0x1  }
0x1: {  	s3 =	rddreg [dreg:$0x0]  }
0x2: {  	s4 =	rddreg [dreg:$0x1]  }
0x3: {  	s0 =	rddreg [dreg:$0x2];
	s5 =	srdreg.scid  }
0x4: {  	s2 =	simm.s32 $0x0;
	s1 =	stileid.u32;
	s8 =	simm.s32 $0x0  }
0x5: {  	s5 =	sand.u32 $0x1, s5;
	s6 =	sshll.u32 s1, $0x9;
	[smem:$0x7FF] =	sst s2  }
0x6: {  	s7 =	sshll.u32 s5, $0x8;
	s5 =	ssub.s32 $0x2, s5;
	_ =	strace $0x80000047  }
0x7: {  	s6 =	sor.u32 s7, s6;
	s31 =	sshrl.u32 s5, $0x1;
	s7 =	simm.s32 $0x800  }
0x8: {  	s4 =	sadd.s32 s6, s4;
	s5 =	ssub.s32 s5, s31;
	s3 =	sadd.s32 s3, s6  }
0x9: {  	s6 =	simm.s32 $0x1;
	s4 =	sadd.s32 $0x600, s4;
	s5 =	smax.u32 s5, $0x1  }
.LBB2_1:
0xa: {  	[tilespmem:s2], [sflag:$0x1] =	stream.linear.gather [hbm4b:s3+s2], $0x800, $0x38;
	[tilespmem:$0x1000] =	vst v63  }
0xb: {  	_ =	swait.ge [sflag:s6], $0x800  }
0xc: {  	[sflag:s6] =	ssyncset.done $0x0  }
0xd: {  	s9 =	simm.s32 $0x20;
	[sflag:s6] =	ssyncadd.s32 $0xFFFFF800  }
0xe: {  	v1 =	vld [tilespmem:s9+$0xFFFFFFF0];
	_ =	sdelay $0x2  }
0xf: {  	v3 =	vld [tilespmem:s9+$0x10]  }
0x10: {  	v0 =	vld [tilespmem:s9+$0x0]  }
0x11: {  	v2 =	vmax.f32 v1, $0.0e+00  }
0x12: {  	v2 =	vmin.f32 v2, $1.000000000e+00  }
0x13: {  	v5 =	vmul.f32 $3.200000150e-02, v2  }
0x14: {  	v4 =	vmax.f32 v3, $0.0e+00;
	v6 =	vmul.f32 $1.200000050e+00, v2;
	v8 =	vmul.f32 $3.999999910e-02, v2  }
0x15: {  	v7 =	vmax.f32 v0, $0.0e+00;
	v9 =	vmul.f32 $7.999999820e-02, v2;
	v10 =	vmul.f32 $3.600000140e-01, v2  }
0x16: {  	v4 =	vmin.f32 v4, $1.000000000e+00;
	v11 =	vmul.f32 $1.599999960e-01, v2;
	v12 =	vmul.f32 $1.199999970e-01, v2  }
0x17: {  	v7 =	vmin.f32 v7, $1.000000000e+00;
	v13 =	vmul.f32 $1.199999970e-01, v4;
	v14 =	vmul.f32 $1.599999960e-01, v4  }
0x18: {  	v2 =	vmul.f32 $8.000000380e-03, v2;
	v15 =	vmul.f32 $1.200000050e+00, v7  }
0x19: {  	v16 =	vmul.f32 $7.999999820e-02, v7;
	v17 =	vmul.f32 $1.199999970e-01, v7  }
0x1a: {  	v18 =	vmul.f32 $7.999999820e-02, v4;
	v5 =	vadd.f32 $-6.000000050e-03, v5;
	v6 =	vadd.f32 $-8.000000110e-01, v6  }
0x1b: {  	v45 =	vmul.f32 $3.600000140e-01, v7;
	v8 =	vadd.f32 $1.999999960e-02, v8;
	v9 =	vadd.f32 $9.999999770e-03, v9  }
0x1c: {  	v21 =	vmul.f32 $3.999999910e-02, v4;
	v11 =	vadd.f32 $-3.999999910e-02, v11;
	v12 =	vadd.f32 $-9.999999770e-03, v12  }
0x1d: {  	v20 =	vmul.f32 $3.999999910e-02, v7;
	v44 =	vadd.f32 $-3.999999910e-02, v14;
	v10 =	vadd.f32 $-1.700000020e-01, v10  }
0x1e: {  	v46 =	vmul.f32 $3.600000140e-01, v4;
	v13 =	vadd.f32 $-9.999999770e-03, v13;
	v47 =	vadd.f32 $1.999999960e-02, v21  }
0x1f: {  	v48 =	vmul.f32 $1.200000050e+00, v4;
	v20 =	vadd.f32 $1.999999960e-02, v20;
	v18 =	vadd.f32 $9.999999770e-03, v18  }
0x20: {  	v49 =	vmul.f32 $3.200000150e-02, v4;
	v16 =	vadd.f32 $9.999999770e-03, v16;
	v17 =	vadd.f32 $-9.999999770e-03, v17  }
0x21: {  	v4 =	vmul.f32 $8.000000380e-03, v4;
	v21 =	vadd.f32 $-8.000000110e-01, v48;
	v15 =	vadd.f32 $-8.000000110e-01, v15  }
0x22: {  	v51 =	vadd.f32 $-6.000000050e-03, v49;
	v8 =	vmax.f32 v8, v9;
	v9 =	vmul.f32 $8.000000380e-03, v7  }
0x23: {  	v5 =	vmax.f32 v2, v5;
	v11 =	vmax.f32 v12, v11;
	v2 =	vmul.f32 $3.200000150e-02, v7  }
0x24: {  	v6 =	vmax.f32 v10, v6;
	v10 =	vadd.f32 $-1.700000020e-01, v45;
	v12 =	vmax.f32 v13, v44  }
0x25: {  	v7 =	vmul.f32 $1.599999960e-01, v7;
	v13 =	vadd.f32 $-1.700000020e-01, v46;
	v16 =	vmax.f32 v20, v16  }
0x26: {  	v14 =	vmax.f32 v47, v18;
	v4 =	vmax.f32 v4, v51;
	v8 =	vmax.f32 v8, v11  }
0x27: {  	v12 =	vmax.f32 v14, v12;
	v5 =	vmax.f32 v5, v6;
	v19 =	vadd.f32 $-6.000000050e-03, v2;
	v2 =	vld [tilespmem:s9+$0xFFFFFFE0]  }
0x28: {  	v7 =	vadd.f32 $-3.999999910e-02, v7;
	v8 =	vadd.f32 $4.999999890e-03, v8;
	v13 =	vmax.f32 v13, v21  }
0x29: {  	v12 =	vadd.f32 $4.999999890e-03, v12;
	v10 =	vmax.f32 v10, v15;
	v4 =	vmax.f32 v4, v13  }
0x2a: {  	v9 =	vmax.f32 v9, v19;
	v7 =	vmax.f32 v17, v7;
	(erf) = vrcp.f32 v8  }
0x2b: {  	v13 =	vmul.f32 $2.000000000e+02, v4;
	v4 =	vmul.f32 $2.000000000e+02, v5;
	v7 =	vmax.f32 v16, v7  }
0x2c: {  	(erf) = vrcp.f32 v12;
	v9 =	vmax.f32 v9, v10;
	v22 =	vmax.f32 v2, $0.0e+00  }
0x2d: {  	vm1 =	veq.f32 v13, $0.0e+00;
	v56 =	vsub.f32 $1.020000000e+02, v4;
	v50 =	vmin.f32 v22, $1.000000000e+00  }
0x2e: {  	v13 =	vsub.f32 $1.020000000e+02, v13;
	v9 =	vmul.f32 $2.000000000e+02, v9;
	v11 =	vmul.f32 $3.999999910e-02, v50  }
0x2f: {  	v7 =	vadd.f32 $4.999999890e-03, v7;
	v52 =	vmul.f32 $7.999999820e-02, v50;
	v5 =	vmul.f32 $3.200000150e-02, v50  }
0x30: {  	v57 =	vadd.f32 $-1.010000000e+02, v56;
	v8 =	vmul.f32 $1.200000050e+00, v50;
	v10 =	vmul.f32 $3.600000140e-01, v50  }
0x31: {  	v53 =	vmul.f32 $1.199999970e-01, v50;
	v55 =	vmul.f32 $8.000000380e-03, v50;
	v5 =	vadd.f32 $-6.000000050e-03, v5  }
0x32: {  	v6 =	vmul.f32 $1.599999960e-01, v50;
	v10 =	vadd.f32 $-1.700000020e-01, v10;
	v8 =	vadd.f32 $-8.000000110e-01, v8  }
0x33: {  	v11 =	vadd.f32 $1.999999960e-02, v11;
	v54 =	vadd.f32 $-9.999999770e-03, v53;
	v5 =	vmax.f32 v55, v5  }
0x34: {  	v6 =	vadd.f32 $-3.999999910e-02, v6;
	v8 =	vmax.f32 v10, v8;
	v10 =	vadd.f32 $9.999999770e-03, v52  }
0x35: {  	v58 =	vadd.f32 $-1.010000000e+02, v13;
	vm0 =	vge.f32 v13, $1.020000000e+02;
	v8 =	vmax.f32 v5, v8  }
0x36: {  	v6 =	vmax.f32 v54, v6;
	v10 =	vmax.f32 v11, v10;
	v5 =	vpop (erf);
	(erf) = vrcp.f32 v7  }
0x37: {  	v10 =	vmax.f32 v10, v6;
	v6 =	vmul.f32 $2.000000000e+02, v8;
	v7 =	vmax.f32 v58, $0.0e+00  }
0x38: {  	v11 =	vmax.f32 v57, $0.0e+00;
	v8 =	vpop (erf);
	v59 =	vmin.f32 v7, $1.000000000e+00;
	v7 =	vsub.f32 $1.020000000e+02, v9  }
0x39: {  	v60 =	vmul.f32 $4.999999890e-03, v8;
	v8 =	vsub.f32 $1.020000000e+02, v6;
	v12 =	vsel vm0, $0x0, v59  }
0x3a: {  	v10 =	vadd.f32 $4.999999890e-03, v10;
	vm0 =	veq.f32 v9, $0.0e+00;
	v9 =	vsel vm1, $0x3F800000, v12  }
0x3b: {  	v62 =	vadd.f32 $-1.010000000e+02, v7;
	v61 =	vadd.f32 $-1.010000000e+02, v8;
	v63 =	vmul.f32 v9, v3  }
0x3c: {  	s10 =	simm.s32 $0x820;
	vm1 =	vge.f32 v56, $1.020000000e+02;
	(erf) = vrcp.f32 v10;
	v3 =	vmin.f32 v11, $1.000000000e+00  }
0x3d: {  	s11 =	simm.s32 $0x0;
	s12 =	simm.s32 $0x60;
	s9 =	simm.s32 $0x820;
	v9 =	vmax.f32 v62, $0.0e+00;
	v11 =	vmax.f32 v61, $0.0e+00;
	v10 =	vmul.f32 v63, v60  }
.LBB2_2:
0x3e: {  	v12 =	vld [tilespmem:s12+$0xFFFFFFF0];
	s11 =	sadd.s32 $0x40, s11;
	v13 =	vsel vm1, $0x0, v3;
	vm1 =	veq.f32 v4, $0.0e+00;
	s10 =	sadd.s32 $0x40, s10  }
0x3f: {  	v4 =	vmin.f32 v11, $1.000000000e+00;
	vm2 =	vge.f32 v8, $1.020000000e+02;
	v3 =	vld [tilespmem:s12+$0x10];
	p0 =	slt.u32 s11, $0x7C0;
	v8 =	vsel vm1, $0x3F800000, v13;
	[tilespmem:s9+$0x10] =	vst v10;
	v10 =	vpop (erf)  }
0x40: {  	v4 =	vsel vm2, $0x0, v4;
	vm1 =	veq.f32 v6, $0.0e+00;
	v11 =	vld [tilespmem:s12+$0x0];
	v6 =	vmul.f32 $4.999999890e-03, v10  }
0x41: {  	v5 =	vmul.f32 $4.999999890e-03, v5;
	v4 =	vsel vm1, $0x3F800000, v4;
	v8 =	vmul.f32 v8, v1;
	v10 =	vld [tilespmem:s12+$0xFFFFFFE0]  }
0x42: {  	vm1 =	vge.f32 v7, $1.020000000e+02;
	v4 =	vmul.f32 v4, v2;
	v2 =	vmin.f32 v9, $1.000000000e+00  }
0x43: {  	v5 =	vmul.f32 v8, v5;
	v2 =	vsel vm1, $0x0, v2;
	v7 =	vmax.f32 v12, $0.0e+00;
	v1 =	vmovc v12  }
0x44: {  	v15 =	vsel vm0, $0x3F800000, v2;
	v7 =	vmin.f32 v7, $1.000000000e+00;
	v8 =	vmax.f32 v3, $0.0e+00  }
0x45: {  	v9 =	vmul.f32 $3.200000150e-02, v7;
	v8 =	vmin.f32 v8, $1.000000000e+00;
	[tilespmem:s9+$0xFFFFFFF0] =	vst v5;
	v5 =	vmul.f32 v15, v0;
	v0 =	vpop (erf)  }
0x46: {  	v12 =	vmul.f32 $1.200000050e+00, v7;
	v13 =	vmax.f32 v11, $0.0e+00;
	v14 =	vmul.f32 $4.999999890e-03, v0;
	v0 =	vmovc v11;
	v2 =	vmovc v10  }
0x47: {  	v10 =	vmul.f32 $3.999999910e-02, v7;
	v9 =	vadd.f32 $-6.000000050e-03, v9;
	v5 =	vmul.f32 v5, v6  }
0x48: {  	v11 =	vmul.f32 $7.999999820e-02, v7;
	v6 =	vadd.f32 $-8.000000110e-01, v12;
	v4 =	vmul.f32 v4, v14  }
0x49: {  	v12 =	vmul.f32 $3.600000140e-01, v7;
	v10 =	vadd.f32 $1.999999960e-02, v10;
	v14 =	vmul.f32 $1.599999960e-01, v7;
	[tilespmem:s9+$0x0] =	vst v5  }
0x4a: {  	v15 =	vmul.f32 $1.199999970e-01, v8;
	v5 =	vadd.f32 $9.999999770e-03, v11;
	v11 =	vmul.f32 $1.199999970e-01, v7;
	[tilespmem:s9+$0xFFFFFFE0] =	vst v4;
	s9 =	smov.u32 s10  }
0x4b: {  	v13 =	vmin.f32 v13, $1.000000000e+00;
	v4 =	vadd.f32 $-3.999999910e-02, v14;
	v14 =	vmul.f32 $1.599999960e-01, v8  }
0x4c: {  	v7 =	vmul.f32 $8.000000380e-03, v7;
	v5 =	vmax.f32 v10, v5;
	v10 =	vmul.f32 $8.000000380e-03, v13  }
0x4d: {  	v16 =	vmul.f32 $1.200000050e+00, v13;
	v17 =	vmul.f32 $7.999999820e-02, v13;
	v11 =	vadd.f32 $-9.999999770e-03, v11  }
0x4e: {  	v18 =	vmul.f32 $7.999999820e-02, v8;
	v7 =	vmax.f32 v7, v9;
	v9 =	vmul.f32 $1.199999970e-01, v13  }
0x4f: {  	v14 =	vadd.f32 $-3.999999910e-02, v14;
	v4 =	vmax.f32 v11, v4;
	v11 =	vmul.f32 $3.200000150e-02, v13  }
0x50: {  	v19 =	vmul.f32 $3.600000140e-01, v13;
	v15 =	vadd.f32 $-9.999999770e-03, v15;
	v12 =	vadd.f32 $-1.700000020e-01, v12  }
0x51: {  	v21 =	vmul.f32 $3.999999910e-02, v8;
	v20 =	vmul.f32 $3.999999910e-02, v13;
	v11 =	vadd.f32 $-6.000000050e-03, v11  }
0x52: {  	v6 =	vmax.f32 v12, v6;
	v12 =	vadd.f32 $-1.700000020e-01, v19;
	v14 =	vmax.f32 v15, v14  }
0x53: {  	v19 =	vadd.f32 $1.999999960e-02, v21;
	v13 =	vmul.f32 $1.599999960e-01, v13;
	v15 =	vmul.f32 $3.600000140e-01, v8  }
0x54: {  	v18 =	vadd.f32 $9.999999770e-03, v18;
	v20 =	vadd.f32 $1.999999960e-02, v20;
	v21 =	vmul.f32 $1.200000050e+00, v8  }
0x55: {  	v13 =	vadd.f32 $-3.999999910e-02, v13;
	v10 =	vmax.f32 v10, v11;
	v11 =	vadd.f32 $9.999999770e-03, v17  }
0x56: {  	v9 =	vadd.f32 $-9.999999770e-03, v9;
	v21 =	vadd.f32 $-8.000000110e-01, v21;
	v17 =	vmul.f32 $3.200000150e-02, v8  }
0x57: {  	v22 =	vmax.f32 v2, $0.0e+00;
	v16 =	vadd.f32 $-8.000000110e-01, v16;
	v15 =	vadd.f32 $-1.700000020e-01, v15  }
0x58: {  	v9 =	vmax.f32 v9, v13;
	v13 =	vmax.f32 v19, v18;
	v11 =	vmax.f32 v20, v11  }
0x59: {  	v4 =	vmax.f32 v5, v4;
	v5 =	vmul.f32 $8.000000380e-03, v8;
	v18 =	vmin.f32 v22, $1.000000000e+00  }
0x5a: {  	v8 =	vmul.f32 $3.999999910e-02, v18;
	v13 =	vmax.f32 v13, v14;
	v17 =	vadd.f32 $-6.000000050e-03, v17  }
0x5b: {  	v4 =	vadd.f32 $4.999999890e-03, v4;
	v14 =	vmul.f32 $7.999999820e-02, v18;
	v9 =	vmax.f32 v11, v9  }
0x5c: {  	v13 =	vadd.f32 $4.999999890e-03, v13;
	v11 =	vmax.f32 v15, v21;
	v5 =	vmax.f32 v5, v17  }
0x5d: {  	v8 =	vadd.f32 $1.999999960e-02, v8;
	v15 =	vmul.f32 $1.199999970e-01, v18;
	(erf) = vrcp.f32 v4  }
0x5e: {  	v17 =	vmul.f32 $1.200000050e+00, v18;
	v5 =	vmax.f32 v5, v11;
	v4 =	vmax.f32 v7, v6  }
0x5f: {  	v5 =	vmul.f32 $2.000000000e+02, v5;
	v6 =	vmul.f32 $1.599999960e-01, v18;
	v7 =	vmax.f32 v12, v16  }
0x60: {  	v11 =	vadd.f32 $-9.999999770e-03, v15;
	v4 =	vmul.f32 $2.000000000e+02, v4;
	(erf) = vrcp.f32 v13  }
0x61: {  	v12 =	vmul.f32 $3.200000150e-02, v18;
	v7 =	vmax.f32 v10, v7  }
0x62: {  	vm1 =	veq.f32 v5, $0.0e+00;
	v10 =	vmul.f32 $3.600000140e-01, v18;
	v6 =	vadd.f32 $-3.999999910e-02, v6  }
0x63: {  	v12 =	vadd.f32 $-6.000000050e-03, v12;
	v13 =	vmul.f32 $8.000000380e-03, v18;
	v15 =	vsub.f32 $1.020000000e+02, v4  }
0x64: {  	v16 =	vadd.f32 $-8.000000110e-01, v17;
	v10 =	vadd.f32 $-1.700000020e-01, v10;
	v6 =	vmax.f32 v11, v6  }
0x65: {  	v11 =	vmax.f32 v13, v12;
	v12 =	vadd.f32 $-1.010000000e+02, v15;
	v13 =	vsub.f32 $1.020000000e+02, v5  }
0x66: {  	v14 =	vadd.f32 $9.999999770e-03, v14;
	v9 =	vadd.f32 $4.999999890e-03, v9;
	v10 =	vmax.f32 v10, v16;
	v5 =	vpop (erf)  }
0x67: {  	v10 =	vmax.f32 v11, v10;
	v11 =	vmul.f32 $2.000000000e+02, v7;
	v7 =	vadd.f32 $-1.010000000e+02, v13  }
0x68: {  	v14 =	vmax.f32 v8, v14;
	v12 =	vmax.f32 v12, $0.0e+00;
	(erf) = vrcp.f32 v9  }
0x69: {  	v7 =	vmax.f32 v7, $0.0e+00;
	v9 =	vmax.f32 v14, v6;
	v6 =	vmul.f32 $2.000000000e+02, v10;
	v8 =	vpop (erf)  }
0x6a: {  	vm0 =	vge.f32 v13, $1.020000000e+02;
	v10 =	vmin.f32 v7, $1.000000000e+00;
	v13 =	vmul.f32 $4.999999890e-03, v8  }
.Ltmp0:
0x6b: {  	v7 =	vsub.f32 $1.020000000e+02, v11;
	v10 =	vsel vm0, $0x0, v10;
	v8 =	vsub.f32 $1.020000000e+02, v6;
	(pc) =	sbr.rel @p0 .LBB2_2-.Ltmp0, $4  }
0x6c: {  	v9 =	vadd.f32 $4.999999890e-03, v9;
	vm0 =	veq.f32 v11, $0.0e+00;
	v10 =	vsel vm1, $0x3F800000, v10  }
0x6d: {  	v14 =	vadd.f32 $-1.010000000e+02, v7;
	v10 =	vmul.f32 v10, v3;
	v11 =	vadd.f32 $-1.010000000e+02, v8  }
0x6e: {  	vm1 =	vge.f32 v15, $1.020000000e+02;
	v3 =	vmin.f32 v12, $1.000000000e+00;
	(erf) = vrcp.f32 v9  }
0x6f: {  	s12 =	sadd.s32 $0x40, s12;
	v10 =	vmul.f32 v10, v13;
	v11 =	vmax.f32 v11, $0.0e+00;
	v9 =	vmax.f32 v14, $0.0e+00  }
0x70: {  	_ =	sdelay $0x1  }
0x71: {  	v3 =	vsel vm1, $0x0, v3;
	vm13 =	veq.f32 v4, $0.0e+00;
	v57 =	vmin.f32 v11, $1.000000000e+00  }
0x72: {  	vm2 =	vge.f32 v8, $1.020000000e+02;
	vm14 =	veq.f32 v6, $0.0e+00;
	v59 =	vmin.f32 v9, $1.000000000e+00  }
0x73: {  	vm15 =	vge.f32 v7, $1.020000000e+02;
	v5 =	vmul.f32 $4.999999890e-03, v5;
	v3 =	vsel vm13, $0x3F800000, v3;
	v58 =	vpop (erf)  }
0x74: {  	v4 =	vsel vm2, $0x0, v57;
	v6 =	vsel vm15, $0x0, v59;
	v60 =	vmul.f32 $4.999999890e-03, v58  }
0x75: {  	v4 =	vsel vm14, $0x3F800000, v4;
	v1 =	vmul.f32 v3, v1;
	v61 =	vsel vm0, $0x3F800000, v6  }
0x76: {  	v2 =	vmul.f32 v4, v2;
	v0 =	vmul.f32 v61, v0;
	v62 =	vpop (erf)  }
0x77: {  	v1 =	vmul.f32 v1, v5;
	v3 =	vmul.f32 $4.999999890e-03, v62  }
0x78: {  	[tilespmem:s9+$0x10] =	vst v10;
	v0 =	vmul.f32 v0, v60  }
0x79: {  	s8 =	sadd.s32 $0x1, s8;
	[tilespmem:s9+$0xFFFFFFF0] =	vst v1;
	v63 =	vmul.f32 v2, v3  }
0x7a: {  	p0 =	sne.s32 s8, s5;
	[tilespmem:s9+$0x0] =	vst v0  }
.Ltmp1:
0x7b: {  	[tilespmem:s9+$0xFFFFFFE0] =	vst v63;
	(pc) =	sbr.rel @p0 .LBB2_1-.Ltmp1, $4  }
0x7c: {  	[hbm4b:s4+s2] =	stream.linear.scatter [tilespmem:s7], [sflag:$0x1], $0x800, $0x38;
	[tilespmem:$0x1000] =	vst v63  }
0x7d: {  	_ =	swait.ge [sflag:s6], $0x800  }
0x7e: {  	[sflag:s6] =	ssyncset.done $0x0  }
0x7f: {  	[sflag:s6] =	ssyncadd.s32 $0xFFFFF800  }
0x80: {  	_ =	sfence.sel $0x180000  }
0x81: {  	[bflag:$0x0] =	sbarrier.arrive $0xFFFF  }
0x82: {  	p0 =	sne.s32 s1, $0x0;
	_ =	strace $0x90000047  }
0x83: {  	s0 =	sadd.s32 @!p0 $0x100000, s0;
	[bflag:$0x2] =	sbarrier.arrive $0xFFFF  }
0x84: {  	[sflag:s0] =	ssyncadd.tile.s32 @!p0 $0x1;
	_ =	shalt  }
.Lfunc_end2:
_tile_overlayer_lowered:
.L_overlay_start_2:
0x85: {  	(tag) =	ssettag $0x2  }
0x86: {  	s0 =	rddreg [dreg:$0x0];
	s2 =	stileid.u32  }
0x87: {  	s1 =	rddreg [dreg:$0x1];
	p0 =	sne.s32 s2, $0x0  }
0x88: {  	s3 =	rddreg [dreg:$0x2];
	[bflag:$0x3] =	sbarrier.arrive $0xFFFF;
	s2 =	simm.s32 @!p0 $0x1C01  }
0x89: {  	[timem:s3], [sflag:s2] =	dma.local @!p0 [hbm:s0], s1  }
0x8a: {  	s0 =	simm.s32 @!p0 $0x1  }
0x8b: {  	_ =	swait.ge @!p0 [sflag:s0], s1  }
0x8c: {  	s1 =	ssub.s32 @!p0 $0x0, s1;
	[sflag:s0] =	ssyncset.done @!p0 $0x0  }
0x8d: {  	[sflag:s0] =	ssyncadd.s32 @!p0 s1  }
0x8e: {  	[bflag:$0x3] =	sbarrier.arrive $0xFFFF  }
0x8f: {  	_ =	shalt  }

</sc_bundles>
